<compile_context>
chip_gen: v7x
topology: tpu7x:2x2x1
jax: 0.10.2.dev20260603
libtpu: 0.0.44.dev20260713+nightly
codegen_flags: <defaults>
</compile_context>

<pallas_src>
import functools

import jax
import jax.numpy as jnp
from jax import lax
from jax.experimental import pallas as pl
from jax.experimental.pallas import tpu as pltpu
from jax.experimental.pallas import tpu_sc as plsc

N_EMBED = 8192
D_MODEL = 64
BETA = 0.25
N_TOK = 16 * 1024

RB = 256
CB = 2048

NW = 32
BPW = N_TOK // NW
IDXC = 128
LANES = 16


def _tc_argmin_body(z_ref, e_ref, s1_ref, se_ref, out_ref):
    z = z_ref[...]
    s1 = s1_ref[...]
    run_m = jnp.full((RB, 1), jnp.inf, jnp.float32)
    run_i = jnp.zeros((RB, 1), jnp.int32)
    for c in range(N_EMBED // CB):
        ec = e_ref[c * CB:(c + 1) * CB, :]
        se = se_ref[:, c * CB:(c + 1) * CB]
        t = lax.dot_general(z, ec, (((1,), (1,)), ((), ())),
                            preferred_element_type=jnp.float32)
        sq = (s1 - 2.0 * t) + se
        cc = jnp.maximum(sq, 0.0)
        dist = cc * lax.rsqrt(cc)
        m = jnp.min(dist, axis=1, keepdims=True)
        iota = lax.broadcasted_iota(jnp.int32, (RB, CB), 1) + c * CB
        cand = jnp.where(dist == m, iota, jnp.int32(2 ** 30))
        li = jnp.min(cand, axis=1, keepdims=True)
        better = m < run_m
        run_i = jnp.where(better, li, run_i)
        run_m = jnp.where(better, m, run_m)
    out_ref[...] = run_i


_tc_argmin = pl.pallas_call(
    _tc_argmin_body,
    grid=(N_TOK // RB,),
    in_specs=[
        pl.BlockSpec((RB, D_MODEL), lambda i: (i, 0)),
        pl.BlockSpec((N_EMBED, D_MODEL), lambda i: (0, 0)),
        pl.BlockSpec((RB, 1), lambda i: (i, 0)),
        pl.BlockSpec((1, N_EMBED), lambda i: (0, 0)),
    ],
    out_specs=pl.BlockSpec((RB, 1), lambda i: (i, 0)),
    out_shape=jax.ShapeDtypeStruct((N_TOK, 1), jnp.int32),
)


def _sc_gather_body(emb_hbm, idx_hbm, ze_hbm, zq_hbm, part_hbm,
                    idx_v, zq_v, ze_v, acc_v, sem):
    wid = lax.axis_index("s") * 2 + lax.axis_index("c")
    base = wid * BPW
    nch = BPW // IDXC
    pltpu.sync_copy(idx_hbm.at[pl.ds(wid * nch, nch)], idx_v)
    cps = [
        pltpu.async_copy(emb_hbm.at[idx_v.at[j]],
                         zq_v.at[pl.ds(j * IDXC, IDXC)], sem)
        for j in range(nch)
    ]
    for cp in cps:
        cp.wait()
    pltpu.sync_copy(ze_hbm.at[pl.ds(base, BPW)], ze_v)

    def body(i, acc):
        for j in range(D_MODEL // LANES):
            sl = pl.ds(j * LANES, LANES)
            zq = zq_v[i, sl]
            ze = ze_v[i, sl]
            d = zq - ze
            acc = acc + d * d
            zq_v[i, sl] = ze + d
        return acc

    acc = lax.fori_loop(0, BPW, body, jnp.zeros((LANES,), jnp.float32))
    acc_v[...] = acc
    pltpu.sync_copy(zq_v, zq_hbm.at[pl.ds(base, BPW)])
    pltpu.sync_copy(acc_v, part_hbm.at[wid])


@functools.cache
def _make_sc_gather():
    return pl.kernel(
        _sc_gather_body,
        mesh=plsc.VectorSubcoreMesh(core_axis_name="c", subcore_axis_name="s",
                                    num_cores=2, num_subcores=16),
        compiler_params=pltpu.CompilerParams(use_tc_tiling_on_sc=False),
        out_type=[
            jax.ShapeDtypeStruct((N_TOK, D_MODEL), jnp.float32),
            jax.ShapeDtypeStruct((NW, LANES), jnp.float32),
        ],
        scratch_types=[
            pltpu.VMEM((BPW // IDXC, IDXC), jnp.int32),
            pltpu.VMEM((BPW, D_MODEL), jnp.float32),
            pltpu.VMEM((BPW, D_MODEL), jnp.float32),
            pltpu.VMEM((LANES,), jnp.float32),
            pltpu.SemaphoreType.DMA,
        ],
    )


def kernel(z_e, embeddings):
    z_flat = z_e.reshape(-1, D_MODEL)
    s1 = jnp.sum(z_flat ** 2, axis=1, keepdims=True)
    se = jnp.sum(embeddings ** 2, axis=1)[None, :]
    idx = _tc_argmin(z_flat, embeddings, s1, se)
    idx_flat = idx.reshape(-1)
    idx2d = idx_flat.reshape(-1, IDXC)
    zq_st, part = _make_sc_gather()(embeddings, idx2d, z_flat)
    m = jnp.sum(part) / (N_TOK * D_MODEL)
    loss = BETA * m + m
    return (zq_st.reshape(z_e.shape), loss,
            idx_flat.reshape(z_e.shape[:-1]))

# --- scband reference (transcript-rebuilt; emitter-appended) ---
"""Pipeline reference for scband-quantizer-16784732192795 (READ-ONLY COPY).

The authoritative reference and input builder live on the scoring server;
editing this copy changes nothing except your own understanding.
"""

import jax, jax.numpy as jnp
import numpy as np

N_EMBED = 8192
D_MODEL = 64
BETA = 0.25


def setup_inputs(seed: int = 0) -> dict:
    key = jax.random.key(seed)
    k1, k2 = jax.random.split(key)
    z_e = jax.random.normal(k1, (16, 1024, D_MODEL), dtype=jnp.float32)
    embeddings = jax.random.uniform(k2, (N_EMBED, D_MODEL), dtype=jnp.float32,
                                    minval=-1.0 / N_EMBED, maxval=1.0 / N_EMBED)
    return {"z_e": z_e, "embeddings": embeddings}


def reference(z_e, embeddings):
    z_e_flat = z_e.reshape(-1, D_MODEL)
    # torch.cdist (p=2): euclidean distance matrix
    sq = (jnp.sum(z_e_flat ** 2, axis=1, keepdims=True)
          - 2.0 * (z_e_flat @ embeddings.T)
          + jnp.sum(embeddings ** 2, axis=1)[None, :])
    distances = jnp.sqrt(jnp.maximum(sq, 0.0))
    encoding_indices = jnp.argmin(distances, axis=1)
    z_q = jnp.take(embeddings, encoding_indices, axis=0).reshape(z_e.shape)
    loss = (BETA * jnp.mean((jax.lax.stop_gradient(z_q) - z_e) ** 2)
            + jnp.mean((jax.lax.stop_gradient(z_e) - z_q) ** 2))
    z_q_st = z_e + jax.lax.stop_gradient(z_q - z_e)
    return z_q_st, loss, encoding_indices.reshape(z_e.shape[:-1])

if __name__ == "__main__":
    import jax
    _d = setup_inputs()
    print(jax.jit(kernel)(*tuple(_d.values())))

</pallas_src>

<mosaic_0001>
#map = affine_map<(d0, d1) -> (0, 0)>
module attributes {stable_mosaic.version = 14 : i64} {
  func.func @_sc_gather_body(%arg0: i32, %arg1: i32, %arg2: memref<8192x64xf32, #tpu.memory_space<hbm>>, %arg3: memref<128x128xi32, #tpu.memory_space<hbm>>, %arg4: memref<16384x64xf32, #tpu.memory_space<hbm>>, %arg5: memref<16384x64xf32, #tpu.memory_space<hbm>>, %arg6: memref<32x16xf32, #tpu.memory_space<hbm>>, %arg7: memref<4x128xi32, #tpu.memory_space<vmem>>, %arg8: memref<512x64xf32, #tpu.memory_space<vmem>>, %arg9: memref<512x64xf32, #tpu.memory_space<vmem>>, %arg10: memref<16xf32, #tpu.memory_space<vmem>>, %arg11: memref<!tpu.dma_semaphore, #tpu.memory_space<semaphore_mem>>) attributes {dimension_semantics = [#tpu.dimension_semantics<core_parallel>, #tpu.dimension_semantics<subcore_parallel>], iteration_bounds = array<i64: 2, 16>, scalar_prefetch = 0 : i64, scratch_operands = 5 : i64, tpu.core_type = #tpu.core_type<sc_vector_subcore>, window_params = [{transform_indices = #map}, {transform_indices = #map}, {transform_indices = #map}, {transform_indices = #map}, {transform_indices = #map}]} {
    %mul3A = arith.constant 2 : i32
    %mul3A_0 = arith.muli %arg1, %mul3A : i32
    %add3A = arith.addi %mul3A_0, %arg0 : i32
    %mul3A_1 = arith.constant 512 : i32
    %mul3A_2 = arith.muli %add3A, %mul3A_1 : i32
    %mul3A_3 = arith.constant 4 : i32
    %mul3A_4 = arith.muli %add3A, %mul3A_3 : i32
    "tpu.region"() ({
      %run_scoped3A = tpu.sem_alloc : memref<!tpu.dma_semaphore, #tpu.memory_space<semaphore_mem>>
      %dma_start3A_92 = arith.constant 0 : i32
      %dma_start3A_93 = tpu.memref_slice %arg3[%mul3A_4, %dma_start3A_92] : memref<128x128xi32, #tpu.memory_space<hbm>> -> memref<4x128xi32, #tpu.memory_space<hbm>>
      %dma_start3A_94 = arith.constant 0 : i32
      %dma_start3A_95 = tpu.memref_slice %arg3[%mul3A_4, %dma_start3A_94] : memref<128x128xi32, #tpu.memory_space<hbm>> -> memref<4x128xi32, #tpu.memory_space<hbm>>
      tpu.enqueue_dma source(%dma_start3A_95 : memref<4x128xi32, #tpu.memory_space<hbm>>) target(%arg7 : memref<4x128xi32, #tpu.memory_space<vmem>>) target_semaphore(%run_scoped3A : memref<!tpu.dma_semaphore, #tpu.memory_space<semaphore_mem>>)
      %dma_wait3A_96 = arith.constant 0 : i32
      %dma_wait3A_97 = tpu.memref_slice %arg3[%mul3A_4, %dma_wait3A_96] : memref<128x128xi32, #tpu.memory_space<hbm>> -> memref<4x128xi32, #tpu.memory_space<hbm>>
      %dma_wait3A_98 = arith.constant 0 : i32
      %dma_wait3A_99 = tpu.memref_slice %arg3[%mul3A_4, %dma_wait3A_98] : memref<128x128xi32, #tpu.memory_space<hbm>> -> memref<4x128xi32, #tpu.memory_space<hbm>>
      tpu.wait_dma2 semaphore(%run_scoped3A : memref<!tpu.dma_semaphore, #tpu.memory_space<semaphore_mem>>) src(%dma_wait3A_99 : memref<4x128xi32, #tpu.memory_space<hbm>>) dst(%arg7 : memref<4x128xi32, #tpu.memory_space<vmem>>)
      tpu.yield
    }) : () -> ()
    %dma_start3A = arith.constant 0 : i32
    %dma_start3A_5 = arith.constant 0 : i32
    %dma_start3A_6 = arith.constant 0 : i32
    %dma_start3A_7 = tpu.memref_slice %arg8[%dma_start3A_5, %dma_start3A_6] : memref<512x64xf32, #tpu.memory_space<vmem>> -> memref<128x64xf32, #tpu.memory_space<vmem>>
    %dma_start3A_8 = arith.constant 0 : i32
    %dma_start3A_9 = tpu.memref_slice %arg7[%dma_start3A, %dma_start3A_8] : memref<4x128xi32, #tpu.memory_space<vmem>> -> memref<1x128xi32, #tpu.memory_space<vmem>>
    %dma_start3A_10 = tpu.memref_squeeze %dma_start3A_9 : memref<1x128xi32, #tpu.memory_space<vmem>> -> memref<128xi32, #tpu.memory_space<vmem>>
    %dma_start3A_11 = arith.constant 0 : i32
    %dma_start3A_12 = arith.constant 0 : i32
    %dma_start3A_13 = tpu.memref_slice %arg2[%dma_start3A_11, %dma_start3A_12] : memref<8192x64xf32, #tpu.memory_space<hbm>> -> memref<8192x64xf32, #tpu.memory_space<hbm>>
    tpu.enqueue_indirect_dma source(%dma_start3A_13 : memref<8192x64xf32, #tpu.memory_space<hbm>>) target(%dma_start3A_7 : memref<128x64xf32, #tpu.memory_space<vmem>>) offsets(%dma_start3A_10 : memref<128xi32, #tpu.memory_space<vmem>>) semaphore(%arg11 : memref<!tpu.dma_semaphore, #tpu.memory_space<semaphore_mem>>)
    %dma_start3A_14 = arith.constant 1 : i32
    %dma_start3A_15 = arith.constant 128 : i32
    %dma_start3A_16 = arith.constant 0 : i32
    %dma_start3A_17 = tpu.memref_slice %arg8[%dma_start3A_15, %dma_start3A_16] : memref<512x64xf32, #tpu.memory_space<vmem>> -> memref<128x64xf32, #tpu.memory_space<vmem>>
    %dma_start3A_18 = arith.constant 0 : i32
    %dma_start3A_19 = tpu.memref_slice %arg7[%dma_start3A_14, %dma_start3A_18] : memref<4x128xi32, #tpu.memory_space<vmem>> -> memref<1x128xi32, #tpu.memory_space<vmem>>
    %dma_start3A_20 = tpu.memref_squeeze %dma_start3A_19 : memref<1x128xi32, #tpu.memory_space<vmem>> -> memref<128xi32, #tpu.memory_space<vmem>>
    %dma_start3A_21 = arith.constant 0 : i32
    %dma_start3A_22 = arith.constant 0 : i32
    %dma_start3A_23 = tpu.memref_slice %arg2[%dma_start3A_21, %dma_start3A_22] : memref<8192x64xf32, #tpu.memory_space<hbm>> -> memref<8192x64xf32, #tpu.memory_space<hbm>>
    tpu.enqueue_indirect_dma source(%dma_start3A_23 : memref<8192x64xf32, #tpu.memory_space<hbm>>) target(%dma_start3A_17 : memref<128x64xf32, #tpu.memory_space<vmem>>) offsets(%dma_start3A_20 : memref<128xi32, #tpu.memory_space<vmem>>) semaphore(%arg11 : memref<!tpu.dma_semaphore, #tpu.memory_space<semaphore_mem>>)
    %dma_start3A_24 = arith.constant 2 : i32
    %dma_start3A_25 = arith.constant 256 : i32
    %dma_start3A_26 = arith.constant 0 : i32
    %dma_start3A_27 = tpu.memref_slice %arg8[%dma_start3A_25, %dma_start3A_26] : memref<512x64xf32, #tpu.memory_space<vmem>> -> memref<128x64xf32, #tpu.memory_space<vmem>>
    %dma_start3A_28 = arith.constant 0 : i32
    %dma_start3A_29 = tpu.memref_slice %arg7[%dma_start3A_24, %dma_start3A_28] : memref<4x128xi32, #tpu.memory_space<vmem>> -> memref<1x128xi32, #tpu.memory_space<vmem>>
    %dma_start3A_30 = tpu.memref_squeeze %dma_start3A_29 : memref<1x128xi32, #tpu.memory_space<vmem>> -> memref<128xi32, #tpu.memory_space<vmem>>
    %dma_start3A_31 = arith.constant 0 : i32
    %dma_start3A_32 = arith.constant 0 : i32
    %dma_start3A_33 = tpu.memref_slice %arg2[%dma_start3A_31, %dma_start3A_32] : memref<8192x64xf32, #tpu.memory_space<hbm>> -> memref<8192x64xf32, #tpu.memory_space<hbm>>
    tpu.enqueue_indirect_dma source(%dma_start3A_33 : memref<8192x64xf32, #tpu.memory_space<hbm>>) target(%dma_start3A_27 : memref<128x64xf32, #tpu.memory_space<vmem>>) offsets(%dma_start3A_30 : memref<128xi32, #tpu.memory_space<vmem>>) semaphore(%arg11 : memref<!tpu.dma_semaphore, #tpu.memory_space<semaphore_mem>>)
    %dma_start3A_34 = arith.constant 3 : i32
    %dma_start3A_35 = arith.constant 384 : i32
    %dma_start3A_36 = arith.constant 0 : i32
    %dma_start3A_37 = tpu.memref_slice %arg8[%dma_start3A_35, %dma_start3A_36] : memref<512x64xf32, #tpu.memory_space<vmem>> -> memref<128x64xf32, #tpu.memory_space<vmem>>
    %dma_start3A_38 = arith.constant 0 : i32
    %dma_start3A_39 = tpu.memref_slice %arg7[%dma_start3A_34, %dma_start3A_38] : memref<4x128xi32, #tpu.memory_space<vmem>> -> memref<1x128xi32, #tpu.memory_space<vmem>>
    %dma_start3A_40 = tpu.memref_squeeze %dma_start3A_39 : memref<1x128xi32, #tpu.memory_space<vmem>> -> memref<128xi32, #tpu.memory_space<vmem>>
    %dma_start3A_41 = arith.constant 0 : i32
    %dma_start3A_42 = arith.constant 0 : i32
    %dma_start3A_43 = tpu.memref_slice %arg2[%dma_start3A_41, %dma_start3A_42] : memref<8192x64xf32, #tpu.memory_space<hbm>> -> memref<8192x64xf32, #tpu.memory_space<hbm>>
    tpu.enqueue_indirect_dma source(%dma_start3A_43 : memref<8192x64xf32, #tpu.memory_space<hbm>>) target(%dma_start3A_37 : memref<128x64xf32, #tpu.memory_space<vmem>>) offsets(%dma_start3A_40 : memref<128xi32, #tpu.memory_space<vmem>>) semaphore(%arg11 : memref<!tpu.dma_semaphore, #tpu.memory_space<semaphore_mem>>)
    %dma_wait3A = arith.constant 0 : i32
    %dma_wait3A_44 = arith.constant 0 : i32
    %dma_wait3A_45 = arith.constant 0 : i32
    %dma_wait3A_46 = tpu.memref_slice %arg8[%dma_wait3A_44, %dma_wait3A_45] : memref<512x64xf32, #tpu.memory_space<vmem>> -> memref<128x64xf32, #tpu.memory_space<vmem>>
    %dma_wait3A_47 = arith.constant 0 : i32
    %dma_wait3A_48 = tpu.memref_slice %arg7[%dma_wait3A, %dma_wait3A_47] : memref<4x128xi32, #tpu.memory_space<vmem>> -> memref<1x128xi32, #tpu.memory_space<vmem>>
    %dma_wait3A_49 = tpu.memref_squeeze %dma_wait3A_48 : memref<1x128xi32, #tpu.memory_space<vmem>> -> memref<128xi32, #tpu.memory_space<vmem>>
    %dma_wait3A_50 = arith.constant 0 : i32
    %dma_wait3A_51 = arith.constant 0 : i32
    %dma_wait3A_52 = tpu.memref_slice %arg2[%dma_wait3A_50, %dma_wait3A_51] : memref<8192x64xf32, #tpu.memory_space<hbm>> -> memref<8192x64xf32, #tpu.memory_space<hbm>>
    tpu.wait_indirect_dma semaphore(%arg11 : memref<!tpu.dma_semaphore, #tpu.memory_space<semaphore_mem>>) src(%dma_wait3A_52 : memref<8192x64xf32, #tpu.memory_space<hbm>>) dst(%dma_wait3A_46 : memref<128x64xf32, #tpu.memory_space<vmem>>)
    %dma_wait3A_53 = arith.constant 1 : i32
    %dma_wait3A_54 = arith.constant 128 : i32
    %dma_wait3A_55 = arith.constant 0 : i32
    %dma_wait3A_56 = tpu.memref_slice %arg8[%dma_wait3A_54, %dma_wait3A_55] : memref<512x64xf32, #tpu.memory_space<vmem>> -> memref<128x64xf32, #tpu.memory_space<vmem>>
    %dma_wait3A_57 = arith.constant 0 : i32
    %dma_wait3A_58 = tpu.memref_slice %arg7[%dma_wait3A_53, %dma_wait3A_57] : memref<4x128xi32, #tpu.memory_space<vmem>> -> memref<1x128xi32, #tpu.memory_space<vmem>>
    %dma_wait3A_59 = tpu.memref_squeeze %dma_wait3A_58 : memref<1x128xi32, #tpu.memory_space<vmem>> -> memref<128xi32, #tpu.memory_space<vmem>>
    %dma_wait3A_60 = arith.constant 0 : i32
    %dma_wait3A_61 = arith.constant 0 : i32
    %dma_wait3A_62 = tpu.memref_slice %arg2[%dma_wait3A_60, %dma_wait3A_61] : memref<8192x64xf32, #tpu.memory_space<hbm>> -> memref<8192x64xf32, #tpu.memory_space<hbm>>
    tpu.wait_indirect_dma semaphore(%arg11 : memref<!tpu.dma_semaphore, #tpu.memory_space<semaphore_mem>>) src(%dma_wait3A_62 : memref<8192x64xf32, #tpu.memory_space<hbm>>) dst(%dma_wait3A_56 : memref<128x64xf32, #tpu.memory_space<vmem>>)
    %dma_wait3A_63 = arith.constant 2 : i32
    %dma_wait3A_64 = arith.constant 256 : i32
    %dma_wait3A_65 = arith.constant 0 : i32
    %dma_wait3A_66 = tpu.memref_slice %arg8[%dma_wait3A_64, %dma_wait3A_65] : memref<512x64xf32, #tpu.memory_space<vmem>> -> memref<128x64xf32, #tpu.memory_space<vmem>>
    %dma_wait3A_67 = arith.constant 0 : i32
    %dma_wait3A_68 = tpu.memref_slice %arg7[%dma_wait3A_63, %dma_wait3A_67] : memref<4x128xi32, #tpu.memory_space<vmem>> -> memref<1x128xi32, #tpu.memory_space<vmem>>
    %dma_wait3A_69 = tpu.memref_squeeze %dma_wait3A_68 : memref<1x128xi32, #tpu.memory_space<vmem>> -> memref<128xi32, #tpu.memory_space<vmem>>
    %dma_wait3A_70 = arith.constant 0 : i32
    %dma_wait3A_71 = arith.constant 0 : i32
    %dma_wait3A_72 = tpu.memref_slice %arg2[%dma_wait3A_70, %dma_wait3A_71] : memref<8192x64xf32, #tpu.memory_space<hbm>> -> memref<8192x64xf32, #tpu.memory_space<hbm>>
    tpu.wait_indirect_dma semaphore(%arg11 : memref<!tpu.dma_semaphore, #tpu.memory_space<semaphore_mem>>) src(%dma_wait3A_72 : memref<8192x64xf32, #tpu.memory_space<hbm>>) dst(%dma_wait3A_66 : memref<128x64xf32, #tpu.memory_space<vmem>>)
    %dma_wait3A_73 = arith.constant 3 : i32
    %dma_wait3A_74 = arith.constant 384 : i32
    %dma_wait3A_75 = arith.constant 0 : i32
    %dma_wait3A_76 = tpu.memref_slice %arg8[%dma_wait3A_74, %dma_wait3A_75] : memref<512x64xf32, #tpu.memory_space<vmem>> -> memref<128x64xf32, #tpu.memory_space<vmem>>
    %dma_wait3A_77 = arith.constant 0 : i32
    %dma_wait3A_78 = tpu.memref_slice %arg7[%dma_wait3A_73, %dma_wait3A_77] : memref<4x128xi32, #tpu.memory_space<vmem>> -> memref<1x128xi32, #tpu.memory_space<vmem>>
    %dma_wait3A_79 = tpu.memref_squeeze %dma_wait3A_78 : memref<1x128xi32, #tpu.memory_space<vmem>> -> memref<128xi32, #tpu.memory_space<vmem>>
    %dma_wait3A_80 = arith.constant 0 : i32
    %dma_wait3A_81 = arith.constant 0 : i32
    %dma_wait3A_82 = tpu.memref_slice %arg2[%dma_wait3A_80, %dma_wait3A_81] : memref<8192x64xf32, #tpu.memory_space<hbm>> -> memref<8192x64xf32, #tpu.memory_space<hbm>>
    tpu.wait_indirect_dma semaphore(%arg11 : memref<!tpu.dma_semaphore, #tpu.memory_space<semaphore_mem>>) src(%dma_wait3A_82 : memref<8192x64xf32, #tpu.memory_space<hbm>>) dst(%dma_wait3A_76 : memref<128x64xf32, #tpu.memory_space<vmem>>)
    "tpu.region"() ({
      %run_scoped3A = tpu.sem_alloc : memref<!tpu.dma_semaphore, #tpu.memory_space<semaphore_mem>>
      %dma_start3A_92 = arith.constant 0 : i32
      %dma_start3A_93 = tpu.memref_slice %arg4[%mul3A_2, %dma_start3A_92] : memref<16384x64xf32, #tpu.memory_space<hbm>> -> memref<512x64xf32, #tpu.memory_space<hbm>>
      %dma_start3A_94 = arith.constant 0 : i32
      %dma_start3A_95 = tpu.memref_slice %arg4[%mul3A_2, %dma_start3A_94] : memref<16384x64xf32, #tpu.memory_space<hbm>> -> memref<512x64xf32, #tpu.memory_space<hbm>>
      tpu.enqueue_dma source(%dma_start3A_95 : memref<512x64xf32, #tpu.memory_space<hbm>>) target(%arg9 : memref<512x64xf32, #tpu.memory_space<vmem>>) target_semaphore(%run_scoped3A : memref<!tpu.dma_semaphore, #tpu.memory_space<semaphore_mem>>)
      %dma_wait3A_96 = arith.constant 0 : i32
      %dma_wait3A_97 = tpu.memref_slice %arg4[%mul3A_2, %dma_wait3A_96] : memref<16384x64xf32, #tpu.memory_space<hbm>> -> memref<512x64xf32, #tpu.memory_space<hbm>>
      %dma_wait3A_98 = arith.constant 0 : i32
      %dma_wait3A_99 = tpu.memref_slice %arg4[%mul3A_2, %dma_wait3A_98] : memref<16384x64xf32, #tpu.memory_space<hbm>> -> memref<512x64xf32, #tpu.memory_space<hbm>>
      tpu.wait_dma2 semaphore(%run_scoped3A : memref<!tpu.dma_semaphore, #tpu.memory_space<semaphore_mem>>) src(%dma_wait3A_99 : memref<512x64xf32, #tpu.memory_space<hbm>>) dst(%arg9 : memref<512x64xf32, #tpu.memory_space<vmem>>)
      tpu.yield
    }) : () -> ()
    %broadcast_in_dim3A = arith.constant 0.000000e+00 : f32
    %broadcast_in_dim3A_83 = vector.broadcast %broadcast_in_dim3A : f32 to vector<16xf32>
    %scan3A = arith.constant 0 : i32
    %scan3A_84 = arith.constant 512 : i32
    %scan3A_85 = arith.addi %scan3A, %scan3A_84 : i32
    %scan3A_86 = arith.constant 1 : i32
    %scan3A_87 = scf.for %scan3A_92 = %scan3A to %scan3A_85 step %scan3A_86 iter_args(%scan3A_93 = %broadcast_in_dim3A_83) -> (vector<16xf32>)  : i32 {
      %get3A = arith.index_cast %scan3A_92 : i32 to index
      %get3A_94 = arith.constant 0 : index
      %get3A_95 = tpu.vector_load %arg8[%get3A, %get3A_94] {strides = array<i32>} : memref<512x64xf32, #tpu.memory_space<vmem>>, vector<1x16xf32>,
      %get3A_96 = vector.shape_cast %get3A_95 : vector<1x16xf32> to vector<16xf32>
      %get3A_97 = arith.index_cast %scan3A_92 : i32 to index
      %get3A_98 = arith.constant 0 : index
      %get3A_99 = tpu.vector_load %arg9[%get3A_97, %get3A_98] {strides = array<i32>} : memref<512x64xf32, #tpu.memory_space<vmem>>, vector<1x16xf32>,
      %get3A_100 = vector.shape_cast %get3A_99 : vector<1x16xf32> to vector<16xf32>
      %sub3A = arith.subf %get3A_96, %get3A_100 : vector<16xf32>
      %mul3A_101 = arith.mulf %sub3A, %sub3A : vector<16xf32>
      %add3A_102 = arith.addf %scan3A_93, %mul3A_101 : vector<16xf32>
      %add3A_103 = arith.addf %get3A_100, %sub3A : vector<16xf32>
      %swap3A_104 = arith.index_cast %scan3A_92 : i32 to index
      %swap3A_105 = arith.constant 0 : index
      %swap3A_106 = tpu.vector_load %arg8[%swap3A_104, %swap3A_105] {strides = array<i32>} : memref<512x64xf32, #tpu.memory_space<vmem>>, vector<1x16xf32>,
      %swap3A_107 = vector.shape_cast %swap3A_106 : vector<1x16xf32> to vector<16xf32>
      %swap3A_108 = vector.shape_cast %add3A_103 : vector<16xf32> to vector<1x16xf32>
      tpu.vector_store %arg8[%swap3A_104, %swap3A_105], %swap3A_108 {strides = array<i32>} : memref<512x64xf32, #tpu.memory_space<vmem>>, vector<1x16xf32>,
      %get3A_109 = arith.index_cast %scan3A_92 : i32 to index
      %get3A_110 = arith.constant 16 : index
      %get3A_111 = tpu.vector_load %arg8[%get3A_109, %get3A_110] {strides = array<i32>} : memref<512x64xf32, #tpu.memory_space<vmem>>, vector<1x16xf32>,
      %get3A_112 = vector.shape_cast %get3A_111 : vector<1x16xf32> to vector<16xf32>
      %get3A_113 = arith.index_cast %scan3A_92 : i32 to index
      %get3A_114 = arith.constant 16 : index
      %get3A_115 = tpu.vector_load %arg9[%get3A_113, %get3A_114] {strides = array<i32>} : memref<512x64xf32, #tpu.memory_space<vmem>>, vector<1x16xf32>,
      %get3A_116 = vector.shape_cast %get3A_115 : vector<1x16xf32> to vector<16xf32>
      %sub3A_117 = arith.subf %get3A_112, %get3A_116 : vector<16xf32>
      %mul3A_118 = arith.mulf %sub3A_117, %sub3A_117 : vector<16xf32>
      %add3A_119 = arith.addf %add3A_102, %mul3A_118 : vector<16xf32>
      %add3A_120 = arith.addf %get3A_116, %sub3A_117 : vector<16xf32>
      %swap3A_121 = arith.index_cast %scan3A_92 : i32 to index
      %swap3A_122 = arith.constant 16 : index
      %swap3A_123 = tpu.vector_load %arg8[%swap3A_121, %swap3A_122] {strides = array<i32>} : memref<512x64xf32, #tpu.memory_space<vmem>>, vector<1x16xf32>,
      %swap3A_124 = vector.shape_cast %swap3A_123 : vector<1x16xf32> to vector<16xf32>
      %swap3A_125 = vector.shape_cast %add3A_120 : vector<16xf32> to vector<1x16xf32>
      tpu.vector_store %arg8[%swap3A_121, %swap3A_122], %swap3A_125 {strides = array<i32>} : memref<512x64xf32, #tpu.memory_space<vmem>>, vector<1x16xf32>,
      %get3A_126 = arith.index_cast %scan3A_92 : i32 to index
      %get3A_127 = arith.constant 32 : index
      %get3A_128 = tpu.vector_load %arg8[%get3A_126, %get3A_127] {strides = array<i32>} : memref<512x64xf32, #tpu.memory_space<vmem>>, vector<1x16xf32>,
      %get3A_129 = vector.shape_cast %get3A_128 : vector<1x16xf32> to vector<16xf32>
      %get3A_130 = arith.index_cast %scan3A_92 : i32 to index
      %get3A_131 = arith.constant 32 : index
      %get3A_132 = tpu.vector_load %arg9[%get3A_130, %get3A_131] {strides = array<i32>} : memref<512x64xf32, #tpu.memory_space<vmem>>, vector<1x16xf32>,
      %get3A_133 = vector.shape_cast %get3A_132 : vector<1x16xf32> to vector<16xf32>
      %sub3A_134 = arith.subf %get3A_129, %get3A_133 : vector<16xf32>
      %mul3A_135 = arith.mulf %sub3A_134, %sub3A_134 : vector<16xf32>
      %add3A_136 = arith.addf %add3A_119, %mul3A_135 : vector<16xf32>
      %add3A_137 = arith.addf %get3A_133, %sub3A_134 : vector<16xf32>
      %swap3A_138 = arith.index_cast %scan3A_92 : i32 to index
      %swap3A_139 = arith.constant 32 : index
      %swap3A_140 = tpu.vector_load %arg8[%swap3A_138, %swap3A_139] {strides = array<i32>} : memref<512x64xf32, #tpu.memory_space<vmem>>, vector<1x16xf32>,
      %swap3A_141 = vector.shape_cast %swap3A_140 : vector<1x16xf32> to vector<16xf32>
      %swap3A_142 = vector.shape_cast %add3A_137 : vector<16xf32> to vector<1x16xf32>
      tpu.vector_store %arg8[%swap3A_138, %swap3A_139], %swap3A_142 {strides = array<i32>} : memref<512x64xf32, #tpu.memory_space<vmem>>, vector<1x16xf32>,
      %get3A_143 = arith.index_cast %scan3A_92 : i32 to index
      %get3A_144 = arith.constant 48 : index
      %get3A_145 = tpu.vector_load %arg8[%get3A_143, %get3A_144] {strides = array<i32>} : memref<512x64xf32, #tpu.memory_space<vmem>>, vector<1x16xf32>,
      %get3A_146 = vector.shape_cast %get3A_145 : vector<1x16xf32> to vector<16xf32>
      %get3A_147 = arith.index_cast %scan3A_92 : i32 to index
      %get3A_148 = arith.constant 48 : index
      %get3A_149 = tpu.vector_load %arg9[%get3A_147, %get3A_148] {strides = array<i32>} : memref<512x64xf32, #tpu.memory_space<vmem>>, vector<1x16xf32>,
      %get3A_150 = vector.shape_cast %get3A_149 : vector<1x16xf32> to vector<16xf32>
      %sub3A_151 = arith.subf %get3A_146, %get3A_150 : vector<16xf32>
      %mul3A_152 = arith.mulf %sub3A_151, %sub3A_151 : vector<16xf32>
      %add3A_153 = arith.addf %add3A_136, %mul3A_152 : vector<16xf32>
      %add3A_154 = arith.addf %get3A_150, %sub3A_151 : vector<16xf32>
      %swap3A_155 = arith.index_cast %scan3A_92 : i32 to index
      %swap3A_156 = arith.constant 48 : index
      %swap3A_157 = tpu.vector_load %arg8[%swap3A_155, %swap3A_156] {strides = array<i32>} : memref<512x64xf32, #tpu.memory_space<vmem>>, vector<1x16xf32>,
      %swap3A_158 = vector.shape_cast %swap3A_157 : vector<1x16xf32> to vector<16xf32>
      %swap3A_159 = vector.shape_cast %add3A_154 : vector<16xf32> to vector<1x16xf32>
      tpu.vector_store %arg8[%swap3A_155, %swap3A_156], %swap3A_159 {strides = array<i32>} : memref<512x64xf32, #tpu.memory_space<vmem>>, vector<1x16xf32>,
      scf.yield %add3A_153 : vector<16xf32>
    }
    %scan3A_88 = arith.constant 512 : i32
    %swap3A = arith.constant 0 : index
    %swap3A_89 = tpu.vector_load %arg10[%swap3A] {strides = array<i32>} : memref<16xf32, #tpu.memory_space<vmem>>, vector<16xf32>,
    %swap3A_90 = vector.shape_cast %swap3A_89 : vector<16xf32> to vector<16xf32>
    %swap3A_91 = vector.shape_cast %scan3A_87 : vector<16xf32> to vector<16xf32>
    tpu.vector_store %arg10[%swap3A], %swap3A_91 {strides = array<i32>} : memref<16xf32, #tpu.memory_space<vmem>>, vector<16xf32>,
    "tpu.region"() ({
      %run_scoped3A = tpu.sem_alloc : memref<!tpu.dma_semaphore, #tpu.memory_space<semaphore_mem>>
      %dma_start3A_92 = arith.constant 0 : i32
      %dma_start3A_93 = tpu.memref_slice %arg5[%mul3A_2, %dma_start3A_92] : memref<16384x64xf32, #tpu.memory_space<hbm>> -> memref<512x64xf32, #tpu.memory_space<hbm>>
      %dma_start3A_94 = arith.constant 0 : i32
      %dma_start3A_95 = tpu.memref_slice %arg5[%mul3A_2, %dma_start3A_94] : memref<16384x64xf32, #tpu.memory_space<hbm>> -> memref<512x64xf32, #tpu.memory_space<hbm>>
      tpu.enqueue_dma source(%arg8 : memref<512x64xf32, #tpu.memory_space<vmem>>) target(%dma_start3A_95 : memref<512x64xf32, #tpu.memory_space<hbm>>) target_semaphore(%run_scoped3A : memref<!tpu.dma_semaphore, #tpu.memory_space<semaphore_mem>>)
      %dma_wait3A_96 = arith.constant 0 : i32
      %dma_wait3A_97 = tpu.memref_slice %arg5[%mul3A_2, %dma_wait3A_96] : memref<16384x64xf32, #tpu.memory_space<hbm>> -> memref<512x64xf32, #tpu.memory_space<hbm>>
      %dma_wait3A_98 = arith.constant 0 : i32
      %dma_wait3A_99 = tpu.memref_slice %arg5[%mul3A_2, %dma_wait3A_98] : memref<16384x64xf32, #tpu.memory_space<hbm>> -> memref<512x64xf32, #tpu.memory_space<hbm>>
      tpu.wait_dma2 semaphore(%run_scoped3A : memref<!tpu.dma_semaphore, #tpu.memory_space<semaphore_mem>>) src(%arg8 : memref<512x64xf32, #tpu.memory_space<vmem>>) dst(%dma_wait3A_99 : memref<512x64xf32, #tpu.memory_space<hbm>>)
      tpu.yield
    }) : () -> ()
    "tpu.region"() ({
      %run_scoped3A = tpu.sem_alloc : memref<!tpu.dma_semaphore, #tpu.memory_space<semaphore_mem>>
      %dma_start3A_92 = arith.constant 0 : i32
      %dma_start3A_93 = tpu.memref_slice %arg6[%add3A, %dma_start3A_92] : memref<32x16xf32, #tpu.memory_space<hbm>> -> memref<1x16xf32, #tpu.memory_space<hbm>>
      %dma_start3A_94 = tpu.memref_squeeze %dma_start3A_93 : memref<1x16xf32, #tpu.memory_space<hbm>> -> memref<16xf32, #tpu.memory_space<hbm>>
      %dma_start3A_95 = arith.constant 0 : i32
      %dma_start3A_96 = tpu.memref_slice %arg6[%add3A, %dma_start3A_95] : memref<32x16xf32, #tpu.memory_space<hbm>> -> memref<1x16xf32, #tpu.memory_space<hbm>>
      %dma_start3A_97 = tpu.memref_squeeze %dma_start3A_96 : memref<1x16xf32, #tpu.memory_space<hbm>> -> memref<16xf32, #tpu.memory_space<hbm>>
      tpu.enqueue_dma source(%arg10 : memref<16xf32, #tpu.memory_space<vmem>>) target(%dma_start3A_97 : memref<16xf32, #tpu.memory_space<hbm>>) target_semaphore(%run_scoped3A : memref<!tpu.dma_semaphore, #tpu.memory_space<semaphore_mem>>)
      %dma_wait3A_98 = arith.constant 0 : i32
      %dma_wait3A_99 = tpu.memref_slice %arg6[%add3A, %dma_wait3A_98] : memref<32x16xf32, #tpu.memory_space<hbm>> -> memref<1x16xf32, #tpu.memory_space<hbm>>
      %dma_wait3A_100 = tpu.memref_squeeze %dma_wait3A_99 : memref<1x16xf32, #tpu.memory_space<hbm>> -> memref<16xf32, #tpu.memory_space<hbm>>
      %dma_wait3A_101 = arith.constant 0 : i32
      %dma_wait3A_102 = tpu.memref_slice %arg6[%add3A, %dma_wait3A_101] : memref<32x16xf32, #tpu.memory_space<hbm>> -> memref<1x16xf32, #tpu.memory_space<hbm>>
      %dma_wait3A_103 = tpu.memref_squeeze %dma_wait3A_102 : memref<1x16xf32, #tpu.memory_space<hbm>> -> memref<16xf32, #tpu.memory_space<hbm>>
      tpu.wait_dma2 semaphore(%run_scoped3A : memref<!tpu.dma_semaphore, #tpu.memory_space<semaphore_mem>>) src(%arg10 : memref<16xf32, #tpu.memory_space<vmem>>) dst(%dma_wait3A_103 : memref<16xf32, #tpu.memory_space<hbm>>)
      tpu.yield
    }) : () -> ()
    return
  }
}

module attributes {stable_mosaic.version = 14 : i64} {
  func.func @_tc_argmin_body(%arg0: i32, %arg1: memref<256x64xf32, #tpu.memory_space<vmem>>, %arg2: memref<8192x64xf32, #tpu.memory_space<vmem>>, %arg3: memref<256x1xf32, #tpu.memory_space<vmem>>, %arg4: memref<1x8192xf32, #tpu.memory_space<vmem>>, %arg5: memref<256x1xi32, #tpu.memory_space<vmem>>) attributes {dimension_semantics = [#tpu.dimension_semantics<arbitrary>], iteration_bounds = array<i64: 64>, scalar_prefetch = 0 : i64, scratch_operands = 0 : i64, tpu.core_type = #tpu.core_type<tc>, window_params = [{transform_indices = @transform_0, window_bounds = array<i64: 256, 64>}, {pipeline_mode = #tpu.pipeline_mode<synchronous>, transform_indices = @transform_1, window_bounds = array<i64: 8192, 64>}, {transform_indices = @transform_2, window_bounds = array<i64: 256, 1>}, {pipeline_mode = #tpu.pipeline_mode<synchronous>, transform_indices = @transform_3, window_bounds = array<i64: 1, 8192>}, {transform_indices = @transform_4, window_bounds = array<i64: 256, 1>}]} {
    %get3A = arith.constant 0 : index
    %get3A_0 = arith.constant 0 : index
    %get3A_1 = vector.load %arg1[%get3A, %get3A_0] : memref<256x64xf32, #tpu.memory_space<vmem>>, vector<256x64xf32>
    %get3A_2 = arith.constant 0 : index
    %get3A_3 = arith.constant 0 : index
    %get3A_4 = vector.load %arg3[%get3A_2, %get3A_3] : memref<256x1xf32, #tpu.memory_space<vmem>>, vector<256x1xf32>
    %broadcast_in_dim3A = arith.constant 0x7F800000 : f32
    %broadcast_in_dim3A_5 = vector.broadcast %broadcast_in_dim3A : f32 to vector<256x1xf32>
    %broadcast_in_dim3A_6 = arith.constant 0 : i32
    %broadcast_in_dim3A_7 = vector.broadcast %broadcast_in_dim3A_6 : i32 to vector<256x1xi32>
    %get3A_8 = arith.constant 0 : index
    %get3A_9 = arith.constant 0 : index
    %get3A_10 = vector.load %arg2[%get3A_8, %get3A_9] : memref<8192x64xf32, #tpu.memory_space<vmem>>, vector<2048x64xf32>
    %get3A_11 = arith.constant 0 : index
    %get3A_12 = arith.constant 0 : index
    %get3A_13 = vector.load %arg4[%get3A_11, %get3A_12] : memref<1x8192xf32, #tpu.memory_space<vmem>>, vector<1x2048xf32>
    %dot_general3A = arith.constant dense<0.000000e+00> : vector<256x2048xf32>
    %dot_general3A_14 = tpu.matmul %get3A_1, %get3A_10, %dot_general3A {dimension_numbers = #tpu.dot_dimension_numbers<[1], [1], [0], [0], [0, 0, 1, 0], [], []>, transpose_lhs_hint = false} : vector<256x64xf32>, vector<2048x64xf32>, vector<256x2048xf32> -> vector<256x2048xf32>
    %mul3A = arith.constant 2.000000e+00 : f32
    %mul3A_15 = vector.broadcast %mul3A : f32 to vector<256x2048xf32>
    %mul3A_16 = arith.mulf %mul3A_15, %dot_general3A_14 : vector<256x2048xf32>
    %sub3A = vector.broadcast %get3A_4 : vector<256x1xf32> to vector<256x2048xf32>
    %sub3A_17 = arith.subf %sub3A, %mul3A_16 : vector<256x2048xf32>
    %add3A = vector.broadcast %get3A_13 : vector<1x2048xf32> to vector<256x2048xf32>
    %add3A_18 = arith.addf %sub3A_17, %add3A : vector<256x2048xf32>
    %max3A = arith.constant 0.000000e+00 : f32
    %max3A_19 = vector.broadcast %max3A : f32 to vector<256x2048xf32>
    %max3A_20 = arith.maximumf %add3A_18, %max3A_19 : vector<256x2048xf32>
    %rsqrt3A = math.rsqrt %max3A_20 : vector<256x2048xf32>
    %mul3A_21 = arith.mulf %max3A_20, %rsqrt3A : vector<256x2048xf32>
    %reduce_min3A = arith.constant dense<0x7F800000> : vector<256xf32>
    %reduce_min3A_22 = vector.multi_reduction <minimumf>, %mul3A_21, %reduce_min3A [1] : vector<256x2048xf32> to vector<256xf32>
    %broadcast_in_dim3A_23 = vector.shape_cast %reduce_min3A_22 : vector<256xf32> to vector<256x1xf32>
    %iota3A = tpu.iota {dimensions = array<i32: 1>} : vector<256x2048xi32>
    %add3A_24 = arith.constant 0 : i32
    %add3A_25 = vector.broadcast %add3A_24 : i32 to vector<256x2048xi32>
    %add3A_26 = arith.addi %iota3A, %add3A_25 : vector<256x2048xi32>
    %eq3A = vector.broadcast %broadcast_in_dim3A_23 : vector<256x1xf32> to vector<256x2048xf32>
    %eq3A_27 = arith.cmpf oeq, %mul3A_21, %eq3A : vector<256x2048xf32>
    %jit3A = arith.constant 1073741824 : i32
    %broadcast_in_dim3A_28 = vector.broadcast %jit3A : i32 to vector<256x2048xi32>
    %select_n3A = arith.select %eq3A_27, %add3A_26, %broadcast_in_dim3A_28 : vector<256x2048xi1>, vector<256x2048xi32>
    %reduce_min3A_29 = arith.constant dense<2147483647> : vector<256xi32>
    %reduce_min3A_30 = vector.multi_reduction <minsi>, %select_n3A, %reduce_min3A_29 [1] : vector<256x2048xi32> to vector<256xi32>
    %broadcast_in_dim3A_31 = vector.shape_cast %reduce_min3A_30 : vector<256xi32> to vector<256x1xi32>
    %lt3A = arith.cmpf olt, %broadcast_in_dim3A_23, %broadcast_in_dim3A_5 : vector<256x1xf32>
    %select_n3A_32 = arith.select %lt3A, %broadcast_in_dim3A_31, %broadcast_in_dim3A_7 : vector<256x1xi1>, vector<256x1xi32>
    %select_n3A_33 = arith.select %lt3A, %broadcast_in_dim3A_23, %broadcast_in_dim3A_5 : vector<256x1xi1>, vector<256x1xf32>
    %get3A_34 = arith.constant 2048 : index
    %get3A_35 = arith.constant 0 : index
    %get3A_36 = vector.load %arg2[%get3A_34, %get3A_35] : memref<8192x64xf32, #tpu.memory_space<vmem>>, vector<2048x64xf32>
    %get3A_37 = arith.constant 0 : index
    %get3A_38 = arith.constant 2048 : index
    %get3A_39 = vector.load %arg4[%get3A_37, %get3A_38] : memref<1x8192xf32, #tpu.memory_space<vmem>>, vector<1x2048xf32>
    %dot_general3A_40 = arith.constant dense<0.000000e+00> : vector<256x2048xf32>
    %dot_general3A_41 = tpu.matmul %get3A_1, %get3A_36, %dot_general3A_40 {dimension_numbers = #tpu.dot_dimension_numbers<[1], [1], [0], [0], [0, 0, 1, 0], [], []>, transpose_lhs_hint = false} : vector<256x64xf32>, vector<2048x64xf32>, vector<256x2048xf32> -> vector<256x2048xf32>
    %mul3A_42 = arith.constant 2.000000e+00 : f32
    %mul3A_43 = vector.broadcast %mul3A_42 : f32 to vector<256x2048xf32>
    %mul3A_44 = arith.mulf %mul3A_43, %dot_general3A_41 : vector<256x2048xf32>
    %sub3A_45 = vector.broadcast %get3A_4 : vector<256x1xf32> to vector<256x2048xf32>
    %sub3A_46 = arith.subf %sub3A_45, %mul3A_44 : vector<256x2048xf32>
    %add3A_47 = vector.broadcast %get3A_39 : vector<1x2048xf32> to vector<256x2048xf32>
    %add3A_48 = arith.addf %sub3A_46, %add3A_47 : vector<256x2048xf32>
    %max3A_49 = arith.constant 0.000000e+00 : f32
    %max3A_50 = vector.broadcast %max3A_49 : f32 to vector<256x2048xf32>
    %max3A_51 = arith.maximumf %add3A_48, %max3A_50 : vector<256x2048xf32>
    %rsqrt3A_52 = math.rsqrt %max3A_51 : vector<256x2048xf32>
    %mul3A_53 = arith.mulf %max3A_51, %rsqrt3A_52 : vector<256x2048xf32>
    %reduce_min3A_54 = arith.constant dense<0x7F800000> : vector<256xf32>
    %reduce_min3A_55 = vector.multi_reduction <minimumf>, %mul3A_53, %reduce_min3A_54 [1] : vector<256x2048xf32> to vector<256xf32>
    %broadcast_in_dim3A_56 = vector.shape_cast %reduce_min3A_55 : vector<256xf32> to vector<256x1xf32>
    %iota3A_57 = tpu.iota {dimensions = array<i32: 1>} : vector<256x2048xi32>
    %add3A_58 = arith.constant 2048 : i32
    %add3A_59 = vector.broadcast %add3A_58 : i32 to vector<256x2048xi32>
    %add3A_60 = arith.addi %iota3A_57, %add3A_59 : vector<256x2048xi32>
    %eq3A_61 = vector.broadcast %broadcast_in_dim3A_56 : vector<256x1xf32> to vector<256x2048xf32>
    %eq3A_62 = arith.cmpf oeq, %mul3A_53, %eq3A_61 : vector<256x2048xf32>
    %jit3A_63 = arith.constant 1073741824 : i32
    %broadcast_in_dim3A_64 = vector.broadcast %jit3A_63 : i32 to vector<256x2048xi32>
    %select_n3A_65 = arith.select %eq3A_62, %add3A_60, %broadcast_in_dim3A_64 : vector<256x2048xi1>, vector<256x2048xi32>
    %reduce_min3A_66 = arith.constant dense<2147483647> : vector<256xi32>
    %reduce_min3A_67 = vector.multi_reduction <minsi>, %select_n3A_65, %reduce_min3A_66 [1] : vector<256x2048xi32> to vector<256xi32>
    %broadcast_in_dim3A_68 = vector.shape_cast %reduce_min3A_67 : vector<256xi32> to vector<256x1xi32>
    %lt3A_69 = arith.cmpf olt, %broadcast_in_dim3A_56, %select_n3A_33 : vector<256x1xf32>
    %select_n3A_70 = arith.select %lt3A_69, %broadcast_in_dim3A_68, %select_n3A_32 : vector<256x1xi1>, vector<256x1xi32>
    %select_n3A_71 = arith.select %lt3A_69, %broadcast_in_dim3A_56, %select_n3A_33 : vector<256x1xi1>, vector<256x1xf32>
    %get3A_72 = arith.constant 4096 : index
    %get3A_73 = arith.constant 0 : index
    %get3A_74 = vector.load %arg2[%get3A_72, %get3A_73] : memref<8192x64xf32, #tpu.memory_space<vmem>>, vector<2048x64xf32>
    %get3A_75 = arith.constant 0 : index
    %get3A_76 = arith.constant 4096 : index
    %get3A_77 = vector.load %arg4[%get3A_75, %get3A_76] : memref<1x8192xf32, #tpu.memory_space<vmem>>, vector<1x2048xf32>
    %dot_general3A_78 = arith.constant dense<0.000000e+00> : vector<256x2048xf32>
    %dot_general3A_79 = tpu.matmul %get3A_1, %get3A_74, %dot_general3A_78 {dimension_numbers = #tpu.dot_dimension_numbers<[1], [1], [0], [0], [0, 0, 1, 0], [], []>, transpose_lhs_hint = false} : vector<256x64xf32>, vector<2048x64xf32>, vector<256x2048xf32> -> vector<256x2048xf32>
    %mul3A_80 = arith.constant 2.000000e+00 : f32
    %mul3A_81 = vector.broadcast %mul3A_80 : f32 to vector<256x2048xf32>
    %mul3A_82 = arith.mulf %mul3A_81, %dot_general3A_79 : vector<256x2048xf32>
    %sub3A_83 = vector.broadcast %get3A_4 : vector<256x1xf32> to vector<256x2048xf32>
    %sub3A_84 = arith.subf %sub3A_83, %mul3A_82 : vector<256x2048xf32>
    %add3A_85 = vector.broadcast %get3A_77 : vector<1x2048xf32> to vector<256x2048xf32>
    %add3A_86 = arith.addf %sub3A_84, %add3A_85 : vector<256x2048xf32>
    %max3A_87 = arith.constant 0.000000e+00 : f32
    %max3A_88 = vector.broadcast %max3A_87 : f32 to vector<256x2048xf32>
    %max3A_89 = arith.maximumf %add3A_86, %max3A_88 : vector<256x2048xf32>
    %rsqrt3A_90 = math.rsqrt %max3A_89 : vector<256x2048xf32>
    %mul3A_91 = arith.mulf %max3A_89, %rsqrt3A_90 : vector<256x2048xf32>
    %reduce_min3A_92 = arith.constant dense<0x7F800000> : vector<256xf32>
    %reduce_min3A_93 = vector.multi_reduction <minimumf>, %mul3A_91, %reduce_min3A_92 [1] : vector<256x2048xf32> to vector<256xf32>
    %broadcast_in_dim3A_94 = vector.shape_cast %reduce_min3A_93 : vector<256xf32> to vector<256x1xf32>
    %iota3A_95 = tpu.iota {dimensions = array<i32: 1>} : vector<256x2048xi32>
    %add3A_96 = arith.constant 4096 : i32
    %add3A_97 = vector.broadcast %add3A_96 : i32 to vector<256x2048xi32>
    %add3A_98 = arith.addi %iota3A_95, %add3A_97 : vector<256x2048xi32>
    %eq3A_99 = vector.broadcast %broadcast_in_dim3A_94 : vector<256x1xf32> to vector<256x2048xf32>
    %eq3A_100 = arith.cmpf oeq, %mul3A_91, %eq3A_99 : vector<256x2048xf32>
    %jit3A_101 = arith.constant 1073741824 : i32
    %broadcast_in_dim3A_102 = vector.broadcast %jit3A_101 : i32 to vector<256x2048xi32>
    %select_n3A_103 = arith.select %eq3A_100, %add3A_98, %broadcast_in_dim3A_102 : vector<256x2048xi1>, vector<256x2048xi32>
    %reduce_min3A_104 = arith.constant dense<2147483647> : vector<256xi32>
    %reduce_min3A_105 = vector.multi_reduction <minsi>, %select_n3A_103, %reduce_min3A_104 [1] : vector<256x2048xi32> to vector<256xi32>
    %broadcast_in_dim3A_106 = vector.shape_cast %reduce_min3A_105 : vector<256xi32> to vector<256x1xi32>
    %lt3A_107 = arith.cmpf olt, %broadcast_in_dim3A_94, %select_n3A_71 : vector<256x1xf32>
    %select_n3A_108 = arith.select %lt3A_107, %broadcast_in_dim3A_106, %select_n3A_70 : vector<256x1xi1>, vector<256x1xi32>
    %select_n3A_109 = arith.select %lt3A_107, %broadcast_in_dim3A_94, %select_n3A_71 : vector<256x1xi1>, vector<256x1xf32>
    %get3A_110 = arith.constant 6144 : index
    %get3A_111 = arith.constant 0 : index
    %get3A_112 = vector.load %arg2[%get3A_110, %get3A_111] : memref<8192x64xf32, #tpu.memory_space<vmem>>, vector<2048x64xf32>
    %get3A_113 = arith.constant 0 : index
    %get3A_114 = arith.constant 6144 : index
    %get3A_115 = vector.load %arg4[%get3A_113, %get3A_114] : memref<1x8192xf32, #tpu.memory_space<vmem>>, vector<1x2048xf32>
    %dot_general3A_116 = arith.constant dense<0.000000e+00> : vector<256x2048xf32>
    %dot_general3A_117 = tpu.matmul %get3A_1, %get3A_112, %dot_general3A_116 {dimension_numbers = #tpu.dot_dimension_numbers<[1], [1], [0], [0], [0, 0, 1, 0], [], []>, transpose_lhs_hint = false} : vector<256x64xf32>, vector<2048x64xf32>, vector<256x2048xf32> -> vector<256x2048xf32>
    %mul3A_118 = arith.constant 2.000000e+00 : f32
    %mul3A_119 = vector.broadcast %mul3A_118 : f32 to vector<256x2048xf32>
    %mul3A_120 = arith.mulf %mul3A_119, %dot_general3A_117 : vector<256x2048xf32>
    %sub3A_121 = vector.broadcast %get3A_4 : vector<256x1xf32> to vector<256x2048xf32>
    %sub3A_122 = arith.subf %sub3A_121, %mul3A_120 : vector<256x2048xf32>
    %add3A_123 = vector.broadcast %get3A_115 : vector<1x2048xf32> to vector<256x2048xf32>
    %add3A_124 = arith.addf %sub3A_122, %add3A_123 : vector<256x2048xf32>
    %max3A_125 = arith.constant 0.000000e+00 : f32
    %max3A_126 = vector.broadcast %max3A_125 : f32 to vector<256x2048xf32>
    %max3A_127 = arith.maximumf %add3A_124, %max3A_126 : vector<256x2048xf32>
    %rsqrt3A_128 = math.rsqrt %max3A_127 : vector<256x2048xf32>
    %mul3A_129 = arith.mulf %max3A_127, %rsqrt3A_128 : vector<256x2048xf32>
    %reduce_min3A_130 = arith.constant dense<0x7F800000> : vector<256xf32>
    %reduce_min3A_131 = vector.multi_reduction <minimumf>, %mul3A_129, %reduce_min3A_130 [1] : vector<256x2048xf32> to vector<256xf32>
    %broadcast_in_dim3A_132 = vector.shape_cast %reduce_min3A_131 : vector<256xf32> to vector<256x1xf32>
    %iota3A_133 = tpu.iota {dimensions = array<i32: 1>} : vector<256x2048xi32>
    %add3A_134 = arith.constant 6144 : i32
    %add3A_135 = vector.broadcast %add3A_134 : i32 to vector<256x2048xi32>
    %add3A_136 = arith.addi %iota3A_133, %add3A_135 : vector<256x2048xi32>
    %eq3A_137 = vector.broadcast %broadcast_in_dim3A_132 : vector<256x1xf32> to vector<256x2048xf32>
    %eq3A_138 = arith.cmpf oeq, %mul3A_129, %eq3A_137 : vector<256x2048xf32>
    %jit3A_139 = arith.constant 1073741824 : i32
    %broadcast_in_dim3A_140 = vector.broadcast %jit3A_139 : i32 to vector<256x2048xi32>
    %select_n3A_141 = arith.select %eq3A_138, %add3A_136, %broadcast_in_dim3A_140 : vector<256x2048xi1>, vector<256x2048xi32>
    %reduce_min3A_142 = arith.constant dense<2147483647> : vector<256xi32>
    %reduce_min3A_143 = vector.multi_reduction <minsi>, %select_n3A_141, %reduce_min3A_142 [1] : vector<256x2048xi32> to vector<256xi32>
    %broadcast_in_dim3A_144 = vector.shape_cast %reduce_min3A_143 : vector<256xi32> to vector<256x1xi32>
    %lt3A_145 = arith.cmpf olt, %broadcast_in_dim3A_132, %select_n3A_109 : vector<256x1xf32>
    %select_n3A_146 = arith.select %lt3A_145, %broadcast_in_dim3A_144, %select_n3A_108 : vector<256x1xi1>, vector<256x1xi32>
    %swap3A = arith.constant 0 : index
    %swap3A_147 = arith.constant 0 : index
    %swap3A_148 = vector.load %arg5[%swap3A, %swap3A_147] : memref<256x1xi32, #tpu.memory_space<vmem>>, vector<256x1xi32>
    tpu.vector_store %arg5[%swap3A, %swap3A_147], %select_n3A_146 {strides = array<i32>} : memref<256x1xi32, #tpu.memory_space<vmem>>, vector<256x1xi32>,
    return
  }
  func.func @transform_0(%arg0: i32) -> (i32, i32) {
    %c0_i32 = arith.constant 0 : i32
    %c0_i32_0 = arith.constant 0 : i32
    return %arg0, %c0_i32 : i32, i32
  }
  func.func @transform_1(%arg0: i32) -> (i32, i32) {
    %c0_i32 = arith.constant 0 : i32
    %c0_i32_0 = arith.constant 0 : i32
    %c0_i32_1 = arith.constant 0 : i32
    return %c0_i32, %c0_i32_0 : i32, i32
  }
  func.func @transform_2(%arg0: i32) -> (i32, i32) {
    %c0_i32 = arith.constant 0 : i32
    %c0_i32_0 = arith.constant 0 : i32
    return %arg0, %c0_i32 : i32, i32
  }
  func.func @transform_3(%arg0: i32) -> (i32, i32) {
    %c0_i32 = arith.constant 0 : i32
    %c0_i32_0 = arith.constant 0 : i32
    %c0_i32_1 = arith.constant 0 : i32
    return %c0_i32, %c0_i32_0 : i32, i32
  }
  func.func @transform_4(%arg0: i32) -> (i32, i32) {
    %c0_i32 = arith.constant 0 : i32
    %c0_i32_0 = arith.constant 0 : i32
    return %arg0, %c0_i32 : i32, i32
  }
}

</mosaic_0001>

<sc_bundles>
// kernel: kernel.4.cloned.1.call-start
scs
__scs_entry_jumppad:
0x0: {  	(pc) =	sbr.rel $0x88, $3  }
0x1: {  	(tag) =	ssettag $0x0;
	lr =	simm.s32 $0x1  }
0x2: {  	[smem:$0x3F9F] =	sst lr;
	_ =	strace $0xD0000000  }
0x3: {  	_ = 	snop  }
0x4: {  	_ = 	snop  }
0x5: {  	_ = 	snop  }
0x6: {  	_ = 	snop  }
0x7: {  	_ = 	snop  }
__scs_overlays_trampoline_lowered:
0x8: {  	[smem:$0x3FAE] =	sst s0  }
0x9: {  	[smem:$0x3FAF] =	sst s1  }
0xa: {  	[smem:$0x3FB0] =	sst s2  }
0xb: {  	[smem:$0x3FB1] =	sst s3  }
0xc: {  	[smem:$0x3FB2] =	sst s4  }
0xd: {  	[smem:$0x3FB3] =	sst s5  }
0xe: {  	[smem:$0x3FB4] =	sst s6  }
0xf: {  	[smem:$0x3FB5] =	sst s7  }
0x10: {  	[smem:$0x3FB6] =	sst s8  }
0x11: {  	[smem:$0x3FB7] =	sst s9;
	s0 =	simm.s32 @!p0 $0x0  }
0x12: {  	s1 =	sld [smem:$0x3F9D];
	s0 =	simm.s32 @p0 $0x1  }
0x13: {  	[smem:$0x3FB8] =	sst s0;
	s0 =	simm.s32 @!p1 $0x0  }
0x14: {  	s2 =	sld [smem:$0x3F9C];
	s0 =	simm.s32 @p1 $0x1  }
0x15: {  	[smem:$0x3FB9] =	sst s0;
	s0 =	simm.s32 @!p2 $0x0  }
0x16: {  	s3 =	sld [smem:$0x3FDB];
	s0 =	simm.s32 @p2 $0x1  }
0x17: {  	s4 =	simm.s32 $0x1BF5;
	[smem:$0x3FBB] =	sst s0  }
0x18: {  	s0 =	sld [smem:$0x3F9E];
	_ =	swait.ge [sflag:s4], $0x0  }
0x19: {  	s7 =	sld [smem:$0x3F9F]  }
0x1a: {  	s8 =	sadd.s32 $0xFFFFE003, lr  }
0x1b: {  	s9 =	sadd.s32 $0xFFFFFEF7, lr;
	s5 =	simm.s32 $0xFFFFFFFF;
	p2 =	slt.u32 s8, $0xFFFFF086  }
0x1c: {  	p1 =	slt.u32 s9, $0xF7A;
	s5 =	simm.s32 @!p2 $0x0  }
0x1d: {  	s5 =	simm.s32 @p1 $0x1;
	p0 =	seq.s32 s7, s2  }
0x1e: {  	s7 =	smul.u32 @!p0 $0xF7A, s2;
	p2 =	seq.s32 @!p0 s5, $0x0  }
0x1f: {  	s9 =	smul.u32 $0xF7A, s1;
	s8 =	simm.s32 @!p0 $0x1BF5;
	p2 =	por !p2, p0  }
0x20: {  	[sflag:s8] =	ssyncset.s32 @!p0 $0xFFFFF086;
	s6 =	sadd.s32 @!p0 s3, s7;
	s7 =	simm.s32 @!p0 $0x108  }
0x21: {  	s3 =	sadd.s32 s3, s9;
	s6 =	sadd.s32 @!p0 $0x88, s6;
	s7 =	simm.s32 @p2 $0x1082  }
0x22: {  	[simem:s7], [sflag:s8] =	dma.local @!p0 [hbm:s6], $0xF7A  }
0x23: {  	s9 =	sor.u32 $0xD0000000, s2;
	s6 =	simm.s32 $0x108;
	_ =	swait.ge @!p0 [sflag:s8], $0x0  }
0x24: {  	s3 =	sadd.s32 $0x88, s3;
	s6 =	simm.s32 @!p1 $0x1082;
	[sflag:s4] =	ssyncset.s32 $0xFFFFF086  }
0x25: {  	[simem:s6], [sflag:s4] =	dma.local [hbm:s3], $0xF7A  }
0x26: {  	[smem:$0x3F9F] =	sst s1;
	(tag) =	ssettag s2;
	_ =	strace s9  }
0x27: {  	s1 =	sld [smem:$0x3FAF]  }
0x28: {  	s2 =	sld [smem:$0x3FB0]  }
0x29: {  	s4 =	sld [smem:$0x3FB2]  }
0x2a: {  	p0 =	seq.s32 s5, $0x0;
	s5 =	sld [smem:$0x3FB3]  }
0x2b: {  	s6 =	sld [smem:$0x3FB4]  }
0x2c: {  	s7 =	sld [smem:$0x3FB5]  }
0x2d: {  	s3 =	simm.s32 $0x108;
	s8 =	sld [smem:$0x3FB6]  }
0x2e: {  	s3 =	simm.s32 @!p0 $0x1082;
	s9 =	sld [smem:$0x3FB7]  }
0x2f: {  	lr =	sadd.s32 s0, s3;
	s0 =	sld [smem:$0x3FAE]  }
0x30: {  	s3 =	sld [smem:$0x3FB1]  }
0x31: {  	[smem:$0x3FBA] =	sst s10  }
0x32: {  	s10 =	sld [smem:$0x3FB8];
	_ =	sdelay $0x3  }
0x33: {  	p0 =	seq.s32 s10, $0x1;
	s10 =	sld [smem:$0x3FBA];
	_ =	sdelay $0x3  }
0x34: {  	[smem:$0x3FBA] =	sst s10  }
0x35: {  	s10 =	sld [smem:$0x3FB9];
	_ =	sdelay $0x3  }
0x36: {  	p1 =	seq.s32 s10, $0x1;
	s10 =	sld [smem:$0x3FBA];
	_ =	sdelay $0x3  }
0x37: {  	[smem:$0x3FBA] =	sst s10  }
0x38: {  	s10 =	sld [smem:$0x3FBB]  }
0x39: {  	_ = 	snop;
	(pc) =	sbr.ind lr, $3  }
0x3a: {  	_ = 	snop  }
0x3b: {  	_ = 	snop  }
0x3c: {  	p2 =	seq.s32 s10, $0x1;
	s10 =	sld [smem:$0x3FBA]  }
0x3d: {  	_ =	shalt  }
0x3e: {  	_ =	shalt  }
0x3f: {  	_ =	shalt  }
0x40: {  	_ =	shalt  }
0x41: {  	_ =	shalt  }
0x42: {  	_ =	shalt  }
0x43: {  	_ =	shalt  }
0x44: {  	_ =	shalt  }
0x45: {  	_ =	shalt  }
0x46: {  	_ =	shalt  }
0x47: {  	_ =	shalt  }
0x48: {  	_ =	shalt  }
0x49: {  	_ =	shalt  }
0x4a: {  	_ =	shalt  }
0x4b: {  	_ =	shalt  }
0x4c: {  	_ =	shalt  }
0x4d: {  	_ =	shalt  }
0x4e: {  	_ =	shalt  }
0x4f: {  	_ =	shalt  }
0x50: {  	_ =	shalt  }
0x51: {  	_ =	shalt  }
0x52: {  	_ =	shalt  }
0x53: {  	_ =	shalt  }
0x54: {  	_ =	shalt  }
0x55: {  	_ =	shalt  }
0x56: {  	_ =	shalt  }
0x57: {  	_ =	shalt  }
0x58: {  	_ =	shalt  }
0x59: {  	_ =	shalt  }
0x5a: {  	_ =	shalt  }
0x5b: {  	_ =	shalt  }
0x5c: {  	_ =	shalt  }
0x5d: {  	_ =	shalt  }
0x5e: {  	_ =	shalt  }
0x5f: {  	_ =	shalt  }
0x60: {  	_ =	shalt  }
0x61: {  	_ =	shalt  }
0x62: {  	_ =	shalt  }
0x63: {  	_ =	shalt  }
0x64: {  	_ =	shalt  }
0x65: {  	_ =	shalt  }
0x66: {  	_ =	shalt  }
0x67: {  	_ =	shalt  }
0x68: {  	_ =	shalt  }
0x69: {  	_ =	shalt  }
0x6a: {  	_ =	shalt  }
0x6b: {  	_ =	shalt  }
0x6c: {  	_ =	shalt  }
0x6d: {  	_ =	shalt  }
0x6e: {  	_ =	shalt  }
0x6f: {  	_ =	shalt  }
0x70: {  	_ =	shalt  }
0x71: {  	_ =	shalt  }
0x72: {  	_ =	shalt  }
0x73: {  	_ =	shalt  }
0x74: {  	_ =	shalt  }
0x75: {  	_ =	shalt  }
0x76: {  	_ =	shalt  }
0x77: {  	_ =	shalt  }
0x78: {  	_ =	shalt  }
0x79: {  	_ =	shalt  }
0x7a: {  	_ =	shalt  }
0x7b: {  	_ =	shalt  }
0x7c: {  	_ =	shalt  }
0x7d: {  	_ =	shalt  }
0x7e: {  	_ =	shalt  }
0x7f: {  	_ =	shalt  }
0x80: {  	_ =	shalt  }
0x81: {  	_ =	shalt  }
0x82: {  	_ =	shalt  }
0x83: {  	_ =	shalt  }
0x84: {  	_ =	shalt  }
0x85: {  	_ =	shalt  }
0x86: {  	_ =	shalt  }
0x87: {  	_ =	shalt  }
.Lfunc_end0:
.L_simem_size_0:
called_computation_lowered:
.L_overlay_start_0:
0x88: {  	s2 =	sld [smem:$0x3FD9]  }
0x89: {  	s3 =	sld [smem:$0x3FFE];
	_ =	sdelay $0x1  }
0x8a: {  	s1 =	srdreg.scid  }
0x8b: {  	s0 =	sand.u32 $0x1, s1  }
0x8c: {  	s14 =	sshll.u32 s0, $0xA;
	s2 =	sadd.s32 s3, s2  }
0x8d: {  	s2 =	sadd.s32 s2, s14  }
0x8e: {  	[smem:$0x3FC6] =	sst s2  }
0x8f: {  	_ = 	snop  }
0x90: {  	s2 =	sld [smem:$0x3FD0];
	_ =	sdelay $0x2  }
0x91: {  	s15 =	simm.s32 $0xA;
	s4 =	simm.s32 $0x10  }
0x92: {  	[smem:s4], [sflag:s15] =	dma.local [hbm:s2], $0x1  }
0x93: {  	_ =	swait.eq [sflag:s15], $0x1  }
0x94: {  	[sflag:s15] =	ssyncset.done $0x0  }
0x95: {  	[sflag:s15] =	ssyncadd.s32 $0xFFFFFFFF  }
0x96: {  	s16 =	sld [smem:$0x10];
	(tm) =	ssettm $0x1  }
0x97: {  	s17 =	sld [smem:$0x3FFB];
	_ =	sdelay $0x3  }
0x98: {  	_ =	strace s17  }
0x99: {  	s3 =	sld [smem:$0x3FFC];
	_ =	sdelay $0x3  }
0x9a: {  	_ =	strace s3  }
0x9b: {  	s3 =	sld [smem:$0x3FFD];
	_ =	sdelay $0x3  }
0x9c: {  	_ =	strace s3  }
0x9d: {  	_ =	strace $0x8FFFFFFF  }
0x9e: {  	s18 =	sld [smem:$0x3FDB];
	_ =	sdelay $0x1  }
0x9f: {  	s19 =	simm.s32 $_scs_section_size  }
0xa0: {  	s5 =	simm.s32 $_size__tile_overlayer_lowered;
	s6 =	simm.s32 $_tile_overlayer_lowered  }
0xa1: {  	s22 =	simm.s32 $0x1BFF;
	s21 =	sshll.u32 s6, $0x1;
	s3 =	sadd.s32 s19, s18  }
0xa2: {  	s7 =	simm.s32 $0x0;
	s20 =	sshll.u32 s5, $0x1;
	s5 =	sadd.s32 s21, s3  }
0xa3: {  	[timem:s7], [sflag:s22] =	dma.local [hbm:s5], s20  }
0xa4: {  	_ =	swait.ge [sflag:s22], s20  }
0xa5: {  	s4 =	ssub.s32 $0x0, s20;
	[sflag:s22] =	ssyncset.done $0x0  }
0xa6: {  	[sflag:s22] =	ssyncadd.s32 s4;
	_ =	sdelay $0x1  }
0xa7: {  	s23 =	simm.s32 $0x1B8B  }
0xa8: {  	_ =	swait.ge [sflag:s23], $0x1  }
0xa9: {  	[sflag:s23] =	ssyncset.done $0x0  }
0xaa: {  	s25 =	simm.s32 $0x1B8E;
	s24 =	sld [smem:$0x3FFE];
	[sflag:s23] =	ssyncadd.s32 $0xFFFFFFFF  }
0xab: {  	s26 =	simm.s32 $execute0_lowered;
	[smem:$0x3FD2] =	sst s25  }
0xac: {  	s5 =	sshll.u32 s26, $0x1;
	_ =	strace $0x80000046;
	[dreg:$0x1] =	wrdreg $0xFFFFFFFF  }
0xad: {  	s28 =	simm.s32 $_size_execute0_lowered;
	s3 =	sadd.s32 s3, s5;
	[dreg:$0x0] =	wrdreg $0x0  }
0xae: {  	s5 =	sshll.u32 s28, $0x1;
	[dreg:$0x2] =	wrdreg s3  }
0xaf: {  	[dreg:$0x3] =	wrdreg s5  }
0xb0: {  	[dreg:$0x4] =	wrdreg $0xC0  }
0xb1: {  	_ =	task [dreg:s7], $0x5FFFF  }
0xb2: {  	[dreg:$0x1] =	wrdreg $0xFFFFFFFF  }
0xb3: {  	[dreg:$0x0] =	wrdreg $0x60  }
0xb4: {  	[dreg:$0x2] =	wrdreg s24  }
0xb5: {  	[dreg:$0x3] =	wrdreg s16  }
0xb6: {  	[dreg:$0x4] =	wrdreg $0x9  }
0xb7: {  	_ =	task.clear_ibuf [dreg:s7], $0x5FFFF;
	_ =	strace $0x90000046  }
0xb8: {  	s29 =	simm.s32 $0x9;
	_ =	strace $0x80000048  }
0xb9: {  	_ =	swait.ge [sflag:s29], $0x1  }
0xba: {  	[sflag:s29] =	ssyncadd.s32 $0xFFFFFFFF  }
0xbb: {  	_ =	strace $0x90000048  }
0xbc: {  	_ =	sfence  }
0xbd: {  	s30 =	sld [smem:$0x0];
	_ =	sdelay $0x2  }
0xbe: {  	s31 =	sshll.u32 s1, $0xD;
	s1 =	sshrl.u32 s1, $0x2  }
0xbf: {  	s3 =	sand.u32 $0x4000, s31;
	s1 =	sadd.s32 s1, s30  }
0xc0: {  	s0 =	sor.u32 s3, s0;
	s1 =	sshll.u32 s1, $0x11  }
0xc1: {  	s0 =	sor.u32 s1, s0  }
0xc2: {  	s0 =	sadd.s32 $0x8F2B, s0  }
0xc3: {  	[sflag:s0] =	ssyncadd.remote.s32 $0x1  }
0xc4: {  	_ =	sfence.sel $0xFFFF  }
0xc5: {  	[dreg:$0x0] =	wrdreg $0xFFFFFFFF;
	(pc) =	sbr.abs _section_cstart, $3  }
0xc6: {  	[dreg:$0x1] =	wrdreg $0xFFFFFFFF  }
0xc7: {  	_ =	task.clear_ibuf [dreg:s7], $0x2FFFF;
	_ =	strace $0x9FFFFFFF  }
0xc8: {  	(tm) =	ssettm $0x7FFFFFFF  }
0xc9: {  	_ =	shalt  }
tec
execute0_lowered:
.L_overlay_start_1:
0x0: {  	(tag) =	ssettag $0x1  }
0x1: {  	s4 =	rddreg [dreg:$0x0]  }
0x2: {  	s5 =	rddreg [dreg:$0x1]  }
0x3: {  	s0 =	rddreg [dreg:$0x2];
	s3 =	srdreg.scid  }
0x4: {  	s1 =	stileid.u32;
	s2 =	simm.s32 $0x0;
	s12 =	simm.s32 $0x2200  }
0x5: {  	s13 =	simm.s32 $0x100;
	s14 =	simm.s32 $0x4200;
	s15 =	simm.s32 $0x180  }
0x6: {  	s16 =	simm.s32 $0x6200;
	s17 =	simm.s32 $0x1;
	s18 =	simm.s32 $0x8200  }
0x7: {  	s19 =	simm.s32 $0x10200;
	s20 =	simm.s32 $0x0;
	s6 =	sand.u32 $0x1, s3  }
0x8: {  	s31 =	sshll.u32 s1, $0x1;
	[smem:$0x7FF] =	sst s2;
	s3 =	sadd.s32 $0x40000, s4  }
0x9: {  	s7 =	sor.u32 s6, s31;
	_ =	strace $0x80000047;
	s6 =	ssub.s32 $0x2, s6  }
0xa: {  	s8 =	sshll.u32 s7, $0xC;
	s10 =	sshll.u32 s7, $0x1;
	s11 =	sshrl.u32 s6, $0x1  }
0xb: {  	s7 =	sshll.u32 s7, $0x6;
	s9 =	sadd.s32 s8, s4;
	s10 =	sadd.s32 s10, s4  }
0xc: {  	s11 =	ssub.s32 s6, s11;
	s4 =	sadd.s32 s4, s7;
	s5 =	sadd.s32 s5, s8  }
0xd: {  	s6 =	sadd.s32 $0x800, s9;
	s7 =	sadd.s32 $0x20800, s10;
	s8 =	smax.u32 s11, $0x1  }
0xe: {  	s9 =	simm.s32 $0x2;
	s10 =	simm.s32 $0x80;
	s11 =	simm.s32 $0x200  }
.LBB2_1:
0xf: {  	[tilespmem:s2], [sflag:$0x2] =	stream.linear.gather [hbm4b:s4+s2], $0x200, $0x38;
	[tilespmem:$0x10210] =	vst v63  }
0x10: {  	_ =	swait.ge [sflag:s9], $0x200  }
0x11: {  	[sflag:s9] =	ssyncset.done $0x0  }
0x12: {  	[sflag:s9] =	ssyncadd.s32 $0xFFFFFE00  }
0x13: {  	[tilespmem:s11], [sflag:$0x1] =	stream.indirect.gather [hbm4b:s3+s10], $0x40, s2, s10, $0xb8;
	[tilespmem:$0x10210] =	vst v63  }
0x14: {  	_ = 	snop  }
0x15: {  	[tilespmem:s12], [sflag:$0x1] =	stream.indirect.gather [hbm4b:s3+s10], $0x40, s10, s10, $0xb8;
	[tilespmem:$0x10210] =	vst v63  }
0x16: {  	_ = 	snop  }
0x17: {  	[tilespmem:s14], [sflag:$0x1] =	stream.indirect.gather [hbm4b:s3+s10], $0x40, s13, s10, $0xb8;
	[tilespmem:$0x10210] =	vst v63  }
0x18: {  	_ = 	snop  }
0x19: {  	[tilespmem:s16], [sflag:$0x1] =	stream.indirect.gather [hbm4b:s3+s10], $0x40, s15, s10, $0xb8;
	[tilespmem:$0x10210] =	vst v63  }
0x1a: {  	_ =	swait.ge [sflag:s17], $0x2000  }
0x1b: {  	[sflag:s17] =	ssyncset.done $0x0  }
0x1c: {  	[sflag:s17] =	ssyncadd.s32 $0xFFFFE000  }
0x1d: {  	_ =	swait.ge [sflag:s17], $0x2000  }
0x1e: {  	[sflag:s17] =	ssyncset.done $0x0  }
0x1f: {  	[sflag:s17] =	ssyncadd.s32 $0xFFFFE000  }
0x20: {  	_ =	swait.ge [sflag:s17], $0x2000  }
0x21: {  	[sflag:s17] =	ssyncset.done $0x0  }
0x22: {  	[sflag:s17] =	ssyncadd.s32 $0xFFFFE000  }
0x23: {  	_ =	swait.ge [sflag:s17], $0x2000  }
0x24: {  	[sflag:s17] =	ssyncset.done $0x0  }
0x25: {  	[sflag:s17] =	ssyncadd.s32 $0xFFFFE000  }
0x26: {  	[tilespmem:s18], [sflag:$0x2] =	stream.linear.gather [hbm4b:s5+s2], $0x8000, $0x38;
	[tilespmem:$0x10210] =	vst v63  }
0x27: {  	_ =	swait.ge [sflag:s9], $0x8000  }
0x28: {  	[sflag:s9] =	ssyncset.done $0x0  }
0x29: {  	s22 =	simm.s32 $0x0;
	[sflag:s9] =	ssyncadd.s32 $0xFFFF8000  }
0x2a: {  	v1 =	vld [tilespmem:s22+$0x8230]  }
0x2b: {  	v5 =	vld [tilespmem:s22+$0x8220]  }
0x2c: {  	v0 =	vld [tilespmem:s22+$0x230]  }
0x2d: {  	v6 =	vld [tilespmem:s22+$0x8210]  }
0x2e: {  	v3 =	vld [tilespmem:s22+$0x220]  }
0x2f: {  	v11 =	vld [tilespmem:s22+$0x8200]  }
0x30: {  	v7 =	vld [tilespmem:s22+$0x210]  }
0x31: {  	v8 =	vld [tilespmem:s22+$0x200]  }
0x32: {  	v2 =	vsub.f32 v0, v1  }
0x33: {  	s21 =	simm.s32 $0x40;
	v3 =	vsub.f32 v3, v5  }
0x34: {  	v4 =	vld [tilespmem:s21+$0x8210];
	v9 =	vadd.f32 v2, v1  }
0x35: {  	v0 =	vld [tilespmem:s21+$0x8230];
	v7 =	vsub.f32 v7, v6;
	v10 =	vadd.f32 v3, v5  }
0x36: {  	v12 =	vsub.f32 v8, v11;
	v1 =	vld [tilespmem:s21+$0x8220];
	[tilespmem:s22+$0x230] =	vst v9  }
0x37: {  	v5 =	vld [tilespmem:s21+$0x230];
	[tilespmem:s22+$0x220] =	vst v10;
	v10 =	vadd.f32 v7, v6  }
0x38: {  	s23 =	simm.s32 $0x200;
	v8 =	vimm.f32 $0.0e+00;
	v11 =	vadd.f32 v12, v11;
	v9 =	vmul.f32 v12, v12;
	v6 =	vld [tilespmem:s21+$0x220]  }
.LBB2_2:
0x39: {  	p0 =	sne.s32 s23, $0x1FF00;
	v12 =	vld [tilespmem:s21+$0x8200];
	[tilespmem:s22+$0x210] =	vst v10;
	s24 =	smov.u32 s23;
	s23 =	sadd.s32 $0x100, s23  }
0x3a: {  	v7 =	vmul.f32 v7, v7;
	v10 =	vld [tilespmem:s21+$0x210];
	v8 =	vadd.f32 v9, v8;
	[tilespmem:s22+$0x200] =	vst v11;
	s22 =	smov.u32 s21  }
0x3b: {  	v9 =	vld [tilespmem:s22+$0x200];
	v11 =	vmov v4  }
0x3c: {  	v4 =	vsub.f32 v5, v0;
	v5 =	vadd.f32 v7, v8;
	v7 =	vmul.f32 v3, v3  }
0x3d: {  	s21 =	sshra.s32 s24, $0x2;
	v3 =	vsub.f32 v6, v1  }
.Ltmp0:
0x3e: {  	v8 =	vmul.f32 v2, v2;
	v6 =	vadd.f32 v4, v0;
	v0 =	vld [tilespmem:s21+$0x8230];
	v5 =	vadd.f32 v7, v5;
	v2 =	vmovc v4;
	(pc) =	sbr.rel @p0 .LBB2_2-.Ltmp0, $4  }
0x3f: {  	v7 =	vsub.f32 v10, v11;
	v13 =	vadd.f32 v3, v1;
	v1 =	vld [tilespmem:s21+$0x8220]  }
0x40: {  	v4 =	vld [tilespmem:s21+$0x8210];
	v14 =	vsub.f32 v9, v12;
	[tilespmem:s22+$0x230] =	vst v6;
	v8 =	vadd.f32 v8, v5  }
0x41: {  	v5 =	vld [tilespmem:s21+$0x230];
	v10 =	vadd.f32 v7, v11;
	[tilespmem:s22+$0x220] =	vst v13  }
0x42: {  	v6 =	vld [tilespmem:s21+$0x220];
	v9 =	vmul.f32 v14, v14;
	v11 =	vadd.f32 v14, v12  }
0x43: {  	v12 =	vld [tilespmem:s21+$0x8200];
	[tilespmem:s22+$0x210] =	vst v10  }
0x44: {  	v10 =	vld [tilespmem:s21+$0x210];
	[tilespmem:s22+$0x200] =	vst v11  }
0x45: {  	v11 =	vld [tilespmem:s21+$0x200]  }
0x46: {  	v7 =	vmul.f32 v7, v7;
	v8 =	vadd.f32 v9, v8;
	_ =	sdelay $0x1  }
0x47: {  	v3 =	vmul.f32 v3, v3;
	v7 =	vadd.f32 v7, v8;
	_ =	sdelay $0x1  }
0x48: {  	v2 =	vmul.f32 v2, v2;
	v3 =	vadd.f32 v3, v7;
	v55 =	vsub.f32 v11, v12;
	_ =	sdelay $0x1  }
0x49: {  	v56 =	vsub.f32 v10, v4;
	v2 =	vadd.f32 v2, v3;
	v57 =	vmul.f32 v55, v55  }
0x4a: {  	v5 =	vsub.f32 v5, v0  }
0x4b: {  	v6 =	vsub.f32 v6, v1;
	v58 =	vmul.f32 v56, v56;
	v2 =	vadd.f32 v57, v2;
	_ =	sdelay $0x1  }
0x4c: {  	v0 =	vadd.f32 v5, v0;
	v59 =	vmul.f32 v6, v6;
	v2 =	vadd.f32 v58, v2  }
0x4d: {  	v1 =	vadd.f32 v6, v1  }
0x4e: {  	v61 =	vmul.f32 v5, v5;
	[tilespmem:s21+$0x230] =	vst v0;
	v60 =	vadd.f32 v56, v4;
	v2 =	vadd.f32 v59, v2  }
0x4f: {  	[tilespmem:s21+$0x220] =	vst v1;
	v62 =	vadd.f32 v55, v12  }
0x50: {  	[tilespmem:s21+$0x210] =	vst v60;
	v63 =	vadd.f32 v61, v2  }
0x51: {  	[tilespmem:s21+$0x200] =	vst v62  }
0x52: {  	[tilespmem:$0x10200] =	vst v63  }
0x53: {  	[hbm4b:s6+s2] =	stream.linear.scatter [tilespmem:s11], [sflag:$0x2], $0x8000, $0x38;
	[tilespmem:$0x10210] =	vst v63  }
0x54: {  	s20 =	sadd.s32 $0x1, s20;
	_ =	swait.ge [sflag:s9], $0x8000  }
0x55: {  	p0 =	sne.s32 s20, s8;
	[sflag:s9] =	ssyncset.done $0x0  }
.Ltmp1:
0x56: {  	[sflag:s9] =	ssyncadd.s32 $0xFFFF8000;
	(pc) =	sbr.rel @p0 .LBB2_1-.Ltmp1, $4  }
0x57: {  	[hbm4b:s7+s2] =	stream.linear.scatter [tilespmem:s19], [sflag:$0x2], $0x10, $0x38;
	[tilespmem:$0x10210] =	vst v63  }
0x58: {  	_ =	swait.ge [sflag:s9], $0x10  }
0x59: {  	[sflag:s9] =	ssyncset.done $0x0  }
0x5a: {  	[sflag:s9] =	ssyncadd.s32 $0xFFFFFFF0  }
0x5b: {  	_ =	sfence.sel $0x180000  }
0x5c: {  	[bflag:$0x0] =	sbarrier.arrive $0xFFFF  }
0x5d: {  	p0 =	sne.s32 s1, $0x0;
	_ =	strace $0x90000047  }
0x5e: {  	s0 =	sadd.s32 @!p0 $0x100000, s0;
	[bflag:$0x2] =	sbarrier.arrive $0xFFFF  }
0x5f: {  	[sflag:s0] =	ssyncadd.tile.s32 @!p0 $0x1;
	_ =	shalt  }
.Lfunc_end2:
_tile_overlayer_lowered:
.L_overlay_start_2:
0x60: {  	(tag) =	ssettag $0x2  }
0x61: {  	s0 =	rddreg [dreg:$0x0];
	s2 =	stileid.u32  }
0x62: {  	s1 =	rddreg [dreg:$0x1];
	p0 =	sne.s32 s2, $0x0  }
0x63: {  	s3 =	rddreg [dreg:$0x2];
	[bflag:$0x3] =	sbarrier.arrive $0xFFFF;
	s2 =	simm.s32 @!p0 $0x1C02  }
0x64: {  	[timem:s3], [sflag:s2] =	dma.local @!p0 [hbm:s0], s1  }
0x65: {  	s0 =	simm.s32 @!p0 $0x2  }
0x66: {  	_ =	swait.ge @!p0 [sflag:s0], s1  }
0x67: {  	s1 =	ssub.s32 @!p0 $0x0, s1;
	[sflag:s0] =	ssyncset.done @!p0 $0x0  }
0x68: {  	[sflag:s0] =	ssyncadd.s32 @!p0 s1  }
0x69: {  	[bflag:$0x3] =	sbarrier.arrive $0xFFFF  }
0x6a: {  	_ =	shalt  }

</sc_bundles>
